<compile_context>
chip_gen: v7x
topology: tpu7x:2x2x1
jax: 0.10.2.dev20260603
libtpu: 0.0.44.dev20260713+nightly
codegen_flags: <defaults>
</compile_context>

<pallas_src>
import functools

import jax
import jax.numpy as jnp
from jax import lax
from jax.experimental import pallas as pl
from jax.experimental.pallas import tpu as pltpu
from jax.experimental.pallas import tpu_sc as plsc

BATCH = 16384
EMBED = 128

_NC, _NS = 2, 16
_NW = _NC * _NS
_B_PER_W = BATCH // _NW


def _make_gather():
    mesh = plsc.VectorSubcoreMesh(core_axis_name="c", subcore_axis_name="s")

    @functools.partial(
        pl.kernel,
        mesh=mesh,
        out_type=[
            jax.ShapeDtypeStruct((BATCH, EMBED), jnp.float32),
            jax.ShapeDtypeStruct((BATCH, EMBED), jnp.float32),
        ],
        scratch_types=[
            pltpu.VMEM((_B_PER_W,), jnp.int32),
            pltpu.VMEM((_B_PER_W, EMBED), jnp.float32),
            pltpu.SemaphoreType.DMA,
        ],
    )
    def gather_k(users_hbm, movies_hbm, ut_hbm, mt_hbm, u_out, m_out,
                 idx_v, rows_v, sem):
        wid = lax.axis_index("s") * _NC + lax.axis_index("c")
        base = wid * _B_PER_W
        pltpu.sync_copy(users_hbm.at[pl.ds(base, _B_PER_W)], idx_v)
        pltpu.async_copy(ut_hbm.at[idx_v], rows_v, sem).wait()
        pltpu.sync_copy(rows_v, u_out.at[pl.ds(base, _B_PER_W)])
        pltpu.sync_copy(movies_hbm.at[pl.ds(base, _B_PER_W)], idx_v)
        pltpu.async_copy(mt_hbm.at[idx_v], rows_v, sem).wait()
        pltpu.sync_copy(rows_v, m_out.at[pl.ds(base, _B_PER_W)])

    return gather_k


_gather = _make_gather()

_BLK = 4096


def _mlp_body(u_ref, m_ref, w1a_ref, w1b_ref, b1_ref, w2_ref, b2_ref,
              w3t_ref, b3_ref, o_ref):
    h = jnp.dot(u_ref[...], w1a_ref[...], preferred_element_type=jnp.float32)
    h += jnp.dot(m_ref[...], w1b_ref[...], preferred_element_type=jnp.float32)
    h = jnp.maximum(h + b1_ref[...], 0.0)
    h = jnp.maximum(
        jnp.dot(h, w2_ref[...], preferred_element_type=jnp.float32)
        + b2_ref[...], 0.0)
    o_ref[...] = lax.dot_general(
        w3t_ref[...], h, (((1,), (1,)), ((), ())),
        preferred_element_type=jnp.float32) + b3_ref[0, 0]


def _mlp(u, m, W1, b1, W2, b2, W3, b3):
    w1a, w1b = W1[:EMBED], W1[EMBED:]
    grid = BATCH // _BLK
    out_row = pl.pallas_call(
        _mlp_body,
        grid=(grid,),
        in_specs=[
            pl.BlockSpec((_BLK, EMBED), lambda i: (i, 0)),
            pl.BlockSpec((_BLK, EMBED), lambda i: (i, 0)),
            pl.BlockSpec((EMBED, 128), lambda i: (0, 0)),
            pl.BlockSpec((EMBED, 128), lambda i: (0, 0)),
            pl.BlockSpec((1, 128), lambda i: (0, 0)),
            pl.BlockSpec((128, 64), lambda i: (0, 0)),
            pl.BlockSpec((1, 64), lambda i: (0, 0)),
            pl.BlockSpec((1, 64), lambda i: (0, 0)),
            pl.BlockSpec((1, 1), lambda i: (0, 0)),
        ],
        out_specs=pl.BlockSpec((1, _BLK), lambda i: (0, i)),
        out_shape=jax.ShapeDtypeStruct((1, BATCH), jnp.float32),
    )(u, m, w1a, w1b, b1.reshape(1, 128), W2, b2.reshape(1, 64),
      W3.reshape(1, 64), b3.reshape(1, 1))
    return out_row.reshape(BATCH, 1)


def kernel(users, movies, user_table, movie_table, W1, b1, W2, b2, W3, b3):
    u, m = _gather(users.astype(jnp.int32), movies.astype(jnp.int32),
                   user_table, movie_table)
    return _mlp(u, m, W1, b1, W2, b2, W3, b3)

# --- scband reference (transcript-rebuilt; emitter-appended) ---
"""Pipeline reference for scband-recommender-29033978921707 (READ-ONLY COPY).

The authoritative reference and input builder live on the scoring server;
editing this copy changes nothing except your own understanding.
"""

import jax, jax.numpy as jnp
import numpy as np

N_USERS = 1000000
N_MOVIES = 100000
EMBED = 128
BATCH = 16384


def setup_inputs(seed: int = 0) -> dict:
    key = jax.random.key(seed)
    ks = jax.random.split(key, 12)
    users = jax.random.randint(ks[0], (BATCH,), 0, N_USERS, dtype=jnp.int64 if jax.config.jax_enable_x64 else jnp.int32)
    movies = jax.random.randint(ks[1], (BATCH,), 0, N_MOVIES, dtype=jnp.int64 if jax.config.jax_enable_x64 else jnp.int32)
    user_table = jax.random.normal(ks[2], (N_USERS, EMBED), dtype=jnp.float32) * 0.02
    movie_table = jax.random.normal(ks[3], (N_MOVIES, EMBED), dtype=jnp.float32) * 0.02
    W1 = jax.random.normal(ks[4], (256, 128), dtype=jnp.float32) * 0.05
    b1 = jnp.zeros((128,), dtype=jnp.float32)
    W2 = jax.random.normal(ks[5], (128, 64), dtype=jnp.float32) * 0.05
    b2 = jnp.zeros((64,), dtype=jnp.float32)
    W3 = jax.random.normal(ks[6], (64, 1), dtype=jnp.float32) * 0.05
    b3 = jnp.zeros((1,), dtype=jnp.float32)
    return {"users": users, "movies": movies, "user_table": user_table, "movie_table": movie_table,
            "W1": W1, "b1": b1, "W2": W2, "b2": b2, "W3": W3, "b3": b3}


def reference(users, movies, user_table, movie_table, W1, b1, W2, b2, W3, b3):
    u = jnp.take(user_table, users, axis=0)
    m = jnp.take(movie_table, movies, axis=0)
    x = jnp.concatenate((u, m), axis=1)
    x = jax.nn.relu(x @ W1 + b1)  # dropout is identity in eval mode
    x = jax.nn.relu(x @ W2 + b2)
    out = x @ W3 + b3
    return out

if __name__ == "__main__":
    import jax
    _d = setup_inputs()
    print(jax.jit(kernel)(*tuple(_d.values())))

</pallas_src>

<mosaic_0001>
#map = affine_map<(d0, d1) -> (0)>
#map1 = affine_map<(d0, d1) -> (0, 0)>
module attributes {stable_mosaic.version = 14 : i64} {
  func.func @gather_k(%arg0: i32, %arg1: i32, %arg2: memref<16384xi32, #tpu.memory_space<hbm>>, %arg3: memref<16384xi32, #tpu.memory_space<hbm>>, %arg4: memref<1000000x128xf32, #tpu.memory_space<hbm>>, %arg5: memref<100000x128xf32, #tpu.memory_space<hbm>>, %arg6: memref<16384x128xf32, #tpu.memory_space<hbm>>, %arg7: memref<16384x128xf32, #tpu.memory_space<hbm>>, %arg8: memref<512xi32, #tpu.memory_space<vmem>>, %arg9: memref<512x128xf32, #tpu.memory_space<vmem>>, %arg10: memref<!tpu.dma_semaphore, #tpu.memory_space<semaphore_mem>>) attributes {dimension_semantics = [#tpu.dimension_semantics<core_parallel>, #tpu.dimension_semantics<subcore_parallel>], iteration_bounds = array<i64: 2, 16>, scalar_prefetch = 0 : i64, scratch_operands = 3 : i64, tpu.core_type = #tpu.core_type<sc_vector_subcore>, window_params = [{transform_indices = #map}, {transform_indices = #map}, {transform_indices = #map1}, {transform_indices = #map1}, {transform_indices = #map1}, {transform_indices = #map1}]} {
    %mul3A = arith.constant 2 : i32
    %mul3A_0 = arith.muli %arg1, %mul3A : i32
    %add3A = arith.addi %mul3A_0, %arg0 : i32
    %mul3A_1 = arith.constant 512 : i32
    %mul3A_2 = arith.muli %add3A, %mul3A_1 : i32
    "tpu.region"() ({
      %run_scoped3A = tpu.sem_alloc : memref<!tpu.dma_semaphore, #tpu.memory_space<semaphore_mem>>
      %dma_start3A_13 = tpu.memref_slice %arg2[%mul3A_2] : memref<16384xi32, #tpu.memory_space<hbm>> -> memref<512xi32, #tpu.memory_space<hbm>>
      %dma_start3A_14 = tpu.memref_slice %arg2[%mul3A_2] : memref<16384xi32, #tpu.memory_space<hbm>> -> memref<512xi32, #tpu.memory_space<hbm>>
      tpu.enqueue_dma source(%dma_start3A_14 : memref<512xi32, #tpu.memory_space<hbm>>) target(%arg8 : memref<512xi32, #tpu.memory_space<vmem>>) target_semaphore(%run_scoped3A : memref<!tpu.dma_semaphore, #tpu.memory_space<semaphore_mem>>)
      %dma_wait3A_15 = tpu.memref_slice %arg2[%mul3A_2] : memref<16384xi32, #tpu.memory_space<hbm>> -> memref<512xi32, #tpu.memory_space<hbm>>
      %dma_wait3A_16 = tpu.memref_slice %arg2[%mul3A_2] : memref<16384xi32, #tpu.memory_space<hbm>> -> memref<512xi32, #tpu.memory_space<hbm>>
      tpu.wait_dma2 semaphore(%run_scoped3A : memref<!tpu.dma_semaphore, #tpu.memory_space<semaphore_mem>>) src(%dma_wait3A_16 : memref<512xi32, #tpu.memory_space<hbm>>) dst(%arg8 : memref<512xi32, #tpu.memory_space<vmem>>)
      tpu.yield
    }) : () -> ()
    %dma_start3A = arith.constant 0 : i32
    %dma_start3A_3 = arith.constant 0 : i32
    %dma_start3A_4 = tpu.memref_slice %arg4[%dma_start3A, %dma_start3A_3] : memref<1000000x128xf32, #tpu.memory_space<hbm>> -> memref<1000000x128xf32, #tpu.memory_space<hbm>>
    tpu.enqueue_indirect_dma source(%dma_start3A_4 : memref<1000000x128xf32, #tpu.memory_space<hbm>>) target(%arg9 : memref<512x128xf32, #tpu.memory_space<vmem>>) offsets(%arg8 : memref<512xi32, #tpu.memory_space<vmem>>) semaphore(%arg10 : memref<!tpu.dma_semaphore, #tpu.memory_space<semaphore_mem>>)
    %dma_wait3A = arith.constant 0 : i32
    %dma_wait3A_5 = arith.constant 0 : i32
    %dma_wait3A_6 = tpu.memref_slice %arg4[%dma_wait3A, %dma_wait3A_5] : memref<1000000x128xf32, #tpu.memory_space<hbm>> -> memref<1000000x128xf32, #tpu.memory_space<hbm>>
    tpu.wait_indirect_dma semaphore(%arg10 : memref<!tpu.dma_semaphore, #tpu.memory_space<semaphore_mem>>) src(%dma_wait3A_6 : memref<1000000x128xf32, #tpu.memory_space<hbm>>) dst(%arg9 : memref<512x128xf32, #tpu.memory_space<vmem>>)
    "tpu.region"() ({
      %run_scoped3A = tpu.sem_alloc : memref<!tpu.dma_semaphore, #tpu.memory_space<semaphore_mem>>
      %dma_start3A_13 = arith.constant 0 : i32
      %dma_start3A_14 = tpu.memref_slice %arg6[%mul3A_2, %dma_start3A_13] : memref<16384x128xf32, #tpu.memory_space<hbm>> -> memref<512x128xf32, #tpu.memory_space<hbm>>
      %dma_start3A_15 = arith.constant 0 : i32
      %dma_start3A_16 = tpu.memref_slice %arg6[%mul3A_2, %dma_start3A_15] : memref<16384x128xf32, #tpu.memory_space<hbm>> -> memref<512x128xf32, #tpu.memory_space<hbm>>
      tpu.enqueue_dma source(%arg9 : memref<512x128xf32, #tpu.memory_space<vmem>>) target(%dma_start3A_16 : memref<512x128xf32, #tpu.memory_space<hbm>>) target_semaphore(%run_scoped3A : memref<!tpu.dma_semaphore, #tpu.memory_space<semaphore_mem>>)
      %dma_wait3A_17 = arith.constant 0 : i32
      %dma_wait3A_18 = tpu.memref_slice %arg6[%mul3A_2, %dma_wait3A_17] : memref<16384x128xf32, #tpu.memory_space<hbm>> -> memref<512x128xf32, #tpu.memory_space<hbm>>
      %dma_wait3A_19 = arith.constant 0 : i32
      %dma_wait3A_20 = tpu.memref_slice %arg6[%mul3A_2, %dma_wait3A_19] : memref<16384x128xf32, #tpu.memory_space<hbm>> -> memref<512x128xf32, #tpu.memory_space<hbm>>
      tpu.wait_dma2 semaphore(%run_scoped3A : memref<!tpu.dma_semaphore, #tpu.memory_space<semaphore_mem>>) src(%arg9 : memref<512x128xf32, #tpu.memory_space<vmem>>) dst(%dma_wait3A_20 : memref<512x128xf32, #tpu.memory_space<hbm>>)
      tpu.yield
    }) : () -> ()
    "tpu.region"() ({
      %run_scoped3A = tpu.sem_alloc : memref<!tpu.dma_semaphore, #tpu.memory_space<semaphore_mem>>
      %dma_start3A_13 = tpu.memref_slice %arg3[%mul3A_2] : memref<16384xi32, #tpu.memory_space<hbm>> -> memref<512xi32, #tpu.memory_space<hbm>>
      %dma_start3A_14 = tpu.memref_slice %arg3[%mul3A_2] : memref<16384xi32, #tpu.memory_space<hbm>> -> memref<512xi32, #tpu.memory_space<hbm>>
      tpu.enqueue_dma source(%dma_start3A_14 : memref<512xi32, #tpu.memory_space<hbm>>) target(%arg8 : memref<512xi32, #tpu.memory_space<vmem>>) target_semaphore(%run_scoped3A : memref<!tpu.dma_semaphore, #tpu.memory_space<semaphore_mem>>)
      %dma_wait3A_15 = tpu.memref_slice %arg3[%mul3A_2] : memref<16384xi32, #tpu.memory_space<hbm>> -> memref<512xi32, #tpu.memory_space<hbm>>
      %dma_wait3A_16 = tpu.memref_slice %arg3[%mul3A_2] : memref<16384xi32, #tpu.memory_space<hbm>> -> memref<512xi32, #tpu.memory_space<hbm>>
      tpu.wait_dma2 semaphore(%run_scoped3A : memref<!tpu.dma_semaphore, #tpu.memory_space<semaphore_mem>>) src(%dma_wait3A_16 : memref<512xi32, #tpu.memory_space<hbm>>) dst(%arg8 : memref<512xi32, #tpu.memory_space<vmem>>)
      tpu.yield
    }) : () -> ()
    %dma_start3A_7 = arith.constant 0 : i32
    %dma_start3A_8 = arith.constant 0 : i32
    %dma_start3A_9 = tpu.memref_slice %arg5[%dma_start3A_7, %dma_start3A_8] : memref<100000x128xf32, #tpu.memory_space<hbm>> -> memref<100000x128xf32, #tpu.memory_space<hbm>>
    tpu.enqueue_indirect_dma source(%dma_start3A_9 : memref<100000x128xf32, #tpu.memory_space<hbm>>) target(%arg9 : memref<512x128xf32, #tpu.memory_space<vmem>>) offsets(%arg8 : memref<512xi32, #tpu.memory_space<vmem>>) semaphore(%arg10 : memref<!tpu.dma_semaphore, #tpu.memory_space<semaphore_mem>>)
    %dma_wait3A_10 = arith.constant 0 : i32
    %dma_wait3A_11 = arith.constant 0 : i32
    %dma_wait3A_12 = tpu.memref_slice %arg5[%dma_wait3A_10, %dma_wait3A_11] : memref<100000x128xf32, #tpu.memory_space<hbm>> -> memref<100000x128xf32, #tpu.memory_space<hbm>>
    tpu.wait_indirect_dma semaphore(%arg10 : memref<!tpu.dma_semaphore, #tpu.memory_space<semaphore_mem>>) src(%dma_wait3A_12 : memref<100000x128xf32, #tpu.memory_space<hbm>>) dst(%arg9 : memref<512x128xf32, #tpu.memory_space<vmem>>)
    "tpu.region"() ({
      %run_scoped3A = tpu.sem_alloc : memref<!tpu.dma_semaphore, #tpu.memory_space<semaphore_mem>>
      %dma_start3A_13 = arith.constant 0 : i32
      %dma_start3A_14 = tpu.memref_slice %arg7[%mul3A_2, %dma_start3A_13] : memref<16384x128xf32, #tpu.memory_space<hbm>> -> memref<512x128xf32, #tpu.memory_space<hbm>>
      %dma_start3A_15 = arith.constant 0 : i32
      %dma_start3A_16 = tpu.memref_slice %arg7[%mul3A_2, %dma_start3A_15] : memref<16384x128xf32, #tpu.memory_space<hbm>> -> memref<512x128xf32, #tpu.memory_space<hbm>>
      tpu.enqueue_dma source(%arg9 : memref<512x128xf32, #tpu.memory_space<vmem>>) target(%dma_start3A_16 : memref<512x128xf32, #tpu.memory_space<hbm>>) target_semaphore(%run_scoped3A : memref<!tpu.dma_semaphore, #tpu.memory_space<semaphore_mem>>)
      %dma_wait3A_17 = arith.constant 0 : i32
      %dma_wait3A_18 = tpu.memref_slice %arg7[%mul3A_2, %dma_wait3A_17] : memref<16384x128xf32, #tpu.memory_space<hbm>> -> memref<512x128xf32, #tpu.memory_space<hbm>>
      %dma_wait3A_19 = arith.constant 0 : i32
      %dma_wait3A_20 = tpu.memref_slice %arg7[%mul3A_2, %dma_wait3A_19] : memref<16384x128xf32, #tpu.memory_space<hbm>> -> memref<512x128xf32, #tpu.memory_space<hbm>>
      tpu.wait_dma2 semaphore(%run_scoped3A : memref<!tpu.dma_semaphore, #tpu.memory_space<semaphore_mem>>) src(%arg9 : memref<512x128xf32, #tpu.memory_space<vmem>>) dst(%dma_wait3A_20 : memref<512x128xf32, #tpu.memory_space<hbm>>)
      tpu.yield
    }) : () -> ()
    return
  }
}

module attributes {stable_mosaic.version = 14 : i64} {
  func.func @_mlp_body(%arg0: i32, %arg1: memref<4096x128xf32, #tpu.memory_space<vmem>>, %arg2: memref<4096x128xf32, #tpu.memory_space<vmem>>, %arg3: memref<128x128xf32, #tpu.memory_space<vmem>>, %arg4: memref<128x128xf32, #tpu.memory_space<vmem>>, %arg5: memref<1x128xf32, #tpu.memory_space<vmem>>, %arg6: memref<128x64xf32, #tpu.memory_space<vmem>>, %arg7: memref<1x64xf32, #tpu.memory_space<vmem>>, %arg8: memref<1x64xf32, #tpu.memory_space<vmem>>, %arg9: memref<1x1xf32, #tpu.memory_space<vmem>>, %arg10: memref<1x4096xf32, #tpu.memory_space<vmem>>) attributes {dimension_semantics = [#tpu.dimension_semantics<arbitrary>], iteration_bounds = array<i64: 4>, scalar_prefetch = 0 : i64, scratch_operands = 0 : i64, tpu.core_type = #tpu.core_type<tc>, window_params = [{transform_indices = @transform_0, window_bounds = array<i64: 4096, 128>}, {transform_indices = @transform_1, window_bounds = array<i64: 4096, 128>}, {pipeline_mode = #tpu.pipeline_mode<synchronous>, transform_indices = @transform_2, window_bounds = array<i64: 128, 128>}, {pipeline_mode = #tpu.pipeline_mode<synchronous>, transform_indices = @transform_3, window_bounds = array<i64: 128, 128>}, {pipeline_mode = #tpu.pipeline_mode<synchronous>, transform_indices = @transform_4, window_bounds = array<i64: 1, 128>}, {pipeline_mode = #tpu.pipeline_mode<synchronous>, transform_indices = @transform_5, window_bounds = array<i64: 128, 64>}, {pipeline_mode = #tpu.pipeline_mode<synchronous>, transform_indices = @transform_6, window_bounds = array<i64: 1, 64>}, {pipeline_mode = #tpu.pipeline_mode<synchronous>, transform_indices = @transform_7, window_bounds = array<i64: 1, 64>}, {pipeline_mode = #tpu.pipeline_mode<synchronous>, transform_indices = @transform_8, window_bounds = array<i64: 1, 1>}, {transform_indices = @transform_9, window_bounds = array<i64: 1, 4096>}]} {
    %get3A = arith.constant 0 : index
    %get3A_0 = arith.constant 0 : index
    %get3A_1 = vector.load %arg1[%get3A, %get3A_0] : memref<4096x128xf32, #tpu.memory_space<vmem>>, vector<4096x128xf32>
    %get3A_2 = arith.constant 0 : index
    %get3A_3 = arith.constant 0 : index
    %get3A_4 = vector.load %arg3[%get3A_2, %get3A_3] : memref<128x128xf32, #tpu.memory_space<vmem>>, vector<128x128xf32>
    %dot_general3A = arith.constant dense<0.000000e+00> : vector<4096x128xf32>
    %dot_general3A_5 = tpu.matmul %get3A_1, %get3A_4, %dot_general3A {dimension_numbers = #tpu.dot_dimension_numbers<[1], [0], [0], [1], [0, 0, 1, 1], [], []>, transpose_lhs_hint = false} : vector<4096x128xf32>, vector<128x128xf32>, vector<4096x128xf32> -> vector<4096x128xf32>
    %get3A_6 = arith.constant 0 : index
    %get3A_7 = arith.constant 0 : index
    %get3A_8 = vector.load %arg2[%get3A_6, %get3A_7] : memref<4096x128xf32, #tpu.memory_space<vmem>>, vector<4096x128xf32>
    %get3A_9 = arith.constant 0 : index
    %get3A_10 = arith.constant 0 : index
    %get3A_11 = vector.load %arg4[%get3A_9, %get3A_10] : memref<128x128xf32, #tpu.memory_space<vmem>>, vector<128x128xf32>
    %dot_general3A_12 = arith.constant dense<0.000000e+00> : vector<4096x128xf32>
    %dot_general3A_13 = tpu.matmul %get3A_8, %get3A_11, %dot_general3A_12 {dimension_numbers = #tpu.dot_dimension_numbers<[1], [0], [0], [1], [0, 0, 1, 1], [], []>, transpose_lhs_hint = false} : vector<4096x128xf32>, vector<128x128xf32>, vector<4096x128xf32> -> vector<4096x128xf32>
    %add3A = arith.addf %dot_general3A_5, %dot_general3A_13 : vector<4096x128xf32>
    %get3A_14 = arith.constant 0 : index
    %get3A_15 = arith.constant 0 : index
    %get3A_16 = vector.load %arg5[%get3A_14, %get3A_15] : memref<1x128xf32, #tpu.memory_space<vmem>>, vector<1x128xf32>
    %add3A_17 = vector.broadcast %get3A_16 : vector<1x128xf32> to vector<4096x128xf32>
    %add3A_18 = arith.addf %add3A, %add3A_17 : vector<4096x128xf32>
    %max3A = arith.constant 0.000000e+00 : f32
    %max3A_19 = vector.broadcast %max3A : f32 to vector<4096x128xf32>
    %max3A_20 = arith.maximumf %add3A_18, %max3A_19 : vector<4096x128xf32>
    %get3A_21 = arith.constant 0 : index
    %get3A_22 = arith.constant 0 : index
    %get3A_23 = vector.load %arg6[%get3A_21, %get3A_22] : memref<128x64xf32, #tpu.memory_space<vmem>>, vector<128x64xf32>
    %dot_general3A_24 = arith.constant dense<0.000000e+00> : vector<4096x64xf32>
    %dot_general3A_25 = tpu.matmul %max3A_20, %get3A_23, %dot_general3A_24 {dimension_numbers = #tpu.dot_dimension_numbers<[1], [0], [0], [1], [0, 0, 1, 1], [], []>, transpose_lhs_hint = false} : vector<4096x128xf32>, vector<128x64xf32>, vector<4096x64xf32> -> vector<4096x64xf32>
    %get3A_26 = arith.constant 0 : index
    %get3A_27 = arith.constant 0 : index
    %get3A_28 = vector.load %arg7[%get3A_26, %get3A_27] : memref<1x64xf32, #tpu.memory_space<vmem>>, vector<1x64xf32>
    %add3A_29 = vector.broadcast %get3A_28 : vector<1x64xf32> to vector<4096x64xf32>
    %add3A_30 = arith.addf %dot_general3A_25, %add3A_29 : vector<4096x64xf32>
    %max3A_31 = arith.constant 0.000000e+00 : f32
    %max3A_32 = vector.broadcast %max3A_31 : f32 to vector<4096x64xf32>
    %max3A_33 = arith.maximumf %add3A_30, %max3A_32 : vector<4096x64xf32>
    %get3A_34 = arith.constant 0 : index
    %get3A_35 = arith.constant 0 : index
    %get3A_36 = vector.load %arg8[%get3A_34, %get3A_35] : memref<1x64xf32, #tpu.memory_space<vmem>>, vector<1x64xf32>
    %dot_general3A_37 = arith.constant dense<0.000000e+00> : vector<1x4096xf32>
    %dot_general3A_38 = tpu.matmul %get3A_36, %max3A_33, %dot_general3A_37 {dimension_numbers = #tpu.dot_dimension_numbers<[1], [1], [0], [0], [0, 0, 1, 0], [], []>, transpose_lhs_hint = false} : vector<1x64xf32>, vector<4096x64xf32>, vector<1x4096xf32> -> vector<1x4096xf32>
    %get3A_39 = arith.constant 0 : index
    %get3A_40 = arith.constant 0 : index
    %get3A_41 = vector.load %arg9[%get3A_39, %get3A_40] : memref<1x1xf32, #tpu.memory_space<vmem>>, vector<1x1xf32>
    %get3A_42 = vector.extract %get3A_41[0, 0] : f32 from vector<1x1xf32>
    %add3A_43 = vector.broadcast %get3A_42 : f32 to vector<1x4096xf32>
    %add3A_44 = arith.addf %dot_general3A_38, %add3A_43 : vector<1x4096xf32>
    %swap3A = arith.constant 0 : index
    %swap3A_45 = arith.constant 0 : index
    %swap3A_46 = vector.load %arg10[%swap3A, %swap3A_45] : memref<1x4096xf32, #tpu.memory_space<vmem>>, vector<1x4096xf32>
    tpu.vector_store %arg10[%swap3A, %swap3A_45], %add3A_44 {strides = array<i32>} : memref<1x4096xf32, #tpu.memory_space<vmem>>, vector<1x4096xf32>,
    return
  }
  func.func @transform_0(%arg0: i32) -> (i32, i32) {
    %c0_i32 = arith.constant 0 : i32
    %c0_i32_0 = arith.constant 0 : i32
    return %arg0, %c0_i32 : i32, i32
  }
  func.func @transform_1(%arg0: i32) -> (i32, i32) {
    %c0_i32 = arith.constant 0 : i32
    %c0_i32_0 = arith.constant 0 : i32
    return %arg0, %c0_i32 : i32, i32
  }
  func.func @transform_2(%arg0: i32) -> (i32, i32) {
    %c0_i32 = arith.constant 0 : i32
    %c0_i32_0 = arith.constant 0 : i32
    %c0_i32_1 = arith.constant 0 : i32
    return %c0_i32, %c0_i32_0 : i32, i32
  }
  func.func @transform_3(%arg0: i32) -> (i32, i32) {
    %c0_i32 = arith.constant 0 : i32
    %c0_i32_0 = arith.constant 0 : i32
    %c0_i32_1 = arith.constant 0 : i32
    return %c0_i32, %c0_i32_0 : i32, i32
  }
  func.func @transform_4(%arg0: i32) -> (i32, i32) {
    %c0_i32 = arith.constant 0 : i32
    %c0_i32_0 = arith.constant 0 : i32
    %c0_i32_1 = arith.constant 0 : i32
    return %c0_i32, %c0_i32_0 : i32, i32
  }
  func.func @transform_5(%arg0: i32) -> (i32, i32) {
    %c0_i32 = arith.constant 0 : i32
    %c0_i32_0 = arith.constant 0 : i32
    %c0_i32_1 = arith.constant 0 : i32
    return %c0_i32, %c0_i32_0 : i32, i32
  }
  func.func @transform_6(%arg0: i32) -> (i32, i32) {
    %c0_i32 = arith.constant 0 : i32
    %c0_i32_0 = arith.constant 0 : i32
    %c0_i32_1 = arith.constant 0 : i32
    return %c0_i32, %c0_i32_0 : i32, i32
  }
  func.func @transform_7(%arg0: i32) -> (i32, i32) {
    %c0_i32 = arith.constant 0 : i32
    %c0_i32_0 = arith.constant 0 : i32
    %c0_i32_1 = arith.constant 0 : i32
    return %c0_i32, %c0_i32_0 : i32, i32
  }
  func.func @transform_8(%arg0: i32) -> (i32, i32) {
    %c0_i32 = arith.constant 0 : i32
    %c0_i32_0 = arith.constant 0 : i32
    %c0_i32_1 = arith.constant 0 : i32
    return %c0_i32, %c0_i32_0 : i32, i32
  }
  func.func @transform_9(%arg0: i32) -> (i32, i32) {
    %c0_i32 = arith.constant 0 : i32
    %c0_i32_0 = arith.constant 0 : i32
    return %c0_i32, %arg0 : i32, i32
  }
}

</mosaic_0001>

<sc_bundles>
// kernel: kernel.4.cloned.1.call-start
scs
__scs_entry_jumppad:
0x0: {  	(pc) =	sbr.rel $0x88, $3  }
0x1: {  	(tag) =	ssettag $0x0;
	lr =	simm.s32 $0x1  }
0x2: {  	[smem:$0x3F97] =	sst lr;
	_ =	strace $0xD0000000  }
0x3: {  	_ = 	snop  }
0x4: {  	_ = 	snop  }
0x5: {  	_ = 	snop  }
0x6: {  	_ = 	snop  }
0x7: {  	_ = 	snop  }
__scs_overlays_trampoline_lowered:
0x8: {  	[smem:$0x3FA6] =	sst s0  }
0x9: {  	[smem:$0x3FA7] =	sst s1  }
0xa: {  	[smem:$0x3FA8] =	sst s2  }
0xb: {  	[smem:$0x3FA9] =	sst s3  }
0xc: {  	[smem:$0x3FAA] =	sst s4  }
0xd: {  	[smem:$0x3FAB] =	sst s5  }
0xe: {  	[smem:$0x3FAC] =	sst s6  }
0xf: {  	[smem:$0x3FAD] =	sst s7  }
0x10: {  	[smem:$0x3FAE] =	sst s8  }
0x11: {  	[smem:$0x3FAF] =	sst s9;
	s0 =	simm.s32 @!p0 $0x0  }
0x12: {  	s1 =	sld [smem:$0x3F95];
	s0 =	simm.s32 @p0 $0x1  }
0x13: {  	[smem:$0x3FB0] =	sst s0;
	s0 =	simm.s32 @!p1 $0x0  }
0x14: {  	s2 =	sld [smem:$0x3F94];
	s0 =	simm.s32 @p1 $0x1  }
0x15: {  	[smem:$0x3FB1] =	sst s0;
	s0 =	simm.s32 @!p2 $0x0  }
0x16: {  	s3 =	sld [smem:$0x3FDB];
	s0 =	simm.s32 @p2 $0x1  }
0x17: {  	s4 =	simm.s32 $0x1BF5;
	[smem:$0x3FB3] =	sst s0  }
0x18: {  	s0 =	sld [smem:$0x3F96];
	_ =	swait.ge [sflag:s4], $0x0  }
0x19: {  	s7 =	sld [smem:$0x3F97]  }
0x1a: {  	s8 =	sadd.s32 $0xFFFFE003, lr  }
0x1b: {  	s9 =	sadd.s32 $0xFFFFFEF7, lr;
	s5 =	simm.s32 $0xFFFFFFFF;
	p2 =	slt.u32 s8, $0xFFFFF086  }
0x1c: {  	p1 =	slt.u32 s9, $0xF7A;
	s5 =	simm.s32 @!p2 $0x0  }
0x1d: {  	s5 =	simm.s32 @p1 $0x1;
	p0 =	seq.s32 s7, s2  }
0x1e: {  	s7 =	smul.u32 @!p0 $0xF7A, s2;
	p2 =	seq.s32 @!p0 s5, $0x0  }
0x1f: {  	s9 =	smul.u32 $0xF7A, s1;
	s8 =	simm.s32 @!p0 $0x1BF5;
	p2 =	por !p2, p0  }
0x20: {  	[sflag:s8] =	ssyncset.s32 @!p0 $0xFFFFF086;
	s6 =	sadd.s32 @!p0 s3, s7;
	s7 =	simm.s32 @!p0 $0x108  }
0x21: {  	s3 =	sadd.s32 s3, s9;
	s6 =	sadd.s32 @!p0 $0x88, s6;
	s7 =	simm.s32 @p2 $0x1082  }
0x22: {  	[simem:s7], [sflag:s8] =	dma.local @!p0 [hbm:s6], $0xF7A  }
0x23: {  	s9 =	sor.u32 $0xD0000000, s2;
	s6 =	simm.s32 $0x108;
	_ =	swait.ge @!p0 [sflag:s8], $0x0  }
0x24: {  	s3 =	sadd.s32 $0x88, s3;
	s6 =	simm.s32 @!p1 $0x1082;
	[sflag:s4] =	ssyncset.s32 $0xFFFFF086  }
0x25: {  	[simem:s6], [sflag:s4] =	dma.local [hbm:s3], $0xF7A  }
0x26: {  	[smem:$0x3F97] =	sst s1;
	(tag) =	ssettag s2;
	_ =	strace s9  }
0x27: {  	s1 =	sld [smem:$0x3FA7]  }
0x28: {  	s2 =	sld [smem:$0x3FA8]  }
0x29: {  	s4 =	sld [smem:$0x3FAA]  }
0x2a: {  	p0 =	seq.s32 s5, $0x0;
	s5 =	sld [smem:$0x3FAB]  }
0x2b: {  	s6 =	sld [smem:$0x3FAC]  }
0x2c: {  	s7 =	sld [smem:$0x3FAD]  }
0x2d: {  	s3 =	simm.s32 $0x108;
	s8 =	sld [smem:$0x3FAE]  }
0x2e: {  	s3 =	simm.s32 @!p0 $0x1082;
	s9 =	sld [smem:$0x3FAF]  }
0x2f: {  	lr =	sadd.s32 s0, s3;
	s0 =	sld [smem:$0x3FA6]  }
0x30: {  	s3 =	sld [smem:$0x3FA9]  }
0x31: {  	[smem:$0x3FB2] =	sst s10  }
0x32: {  	s10 =	sld [smem:$0x3FB0];
	_ =	sdelay $0x3  }
0x33: {  	p0 =	seq.s32 s10, $0x1;
	s10 =	sld [smem:$0x3FB2];
	_ =	sdelay $0x3  }
0x34: {  	[smem:$0x3FB2] =	sst s10  }
0x35: {  	s10 =	sld [smem:$0x3FB1];
	_ =	sdelay $0x3  }
0x36: {  	p1 =	seq.s32 s10, $0x1;
	s10 =	sld [smem:$0x3FB2];
	_ =	sdelay $0x3  }
0x37: {  	[smem:$0x3FB2] =	sst s10  }
0x38: {  	s10 =	sld [smem:$0x3FB3]  }
0x39: {  	_ = 	snop;
	(pc) =	sbr.ind lr, $3  }
0x3a: {  	_ = 	snop  }
0x3b: {  	_ = 	snop  }
0x3c: {  	p2 =	seq.s32 s10, $0x1;
	s10 =	sld [smem:$0x3FB2]  }
0x3d: {  	_ =	shalt  }
0x3e: {  	_ =	shalt  }
0x3f: {  	_ =	shalt  }
0x40: {  	_ =	shalt  }
0x41: {  	_ =	shalt  }
0x42: {  	_ =	shalt  }
0x43: {  	_ =	shalt  }
0x44: {  	_ =	shalt  }
0x45: {  	_ =	shalt  }
0x46: {  	_ =	shalt  }
0x47: {  	_ =	shalt  }
0x48: {  	_ =	shalt  }
0x49: {  	_ =	shalt  }
0x4a: {  	_ =	shalt  }
0x4b: {  	_ =	shalt  }
0x4c: {  	_ =	shalt  }
0x4d: {  	_ =	shalt  }
0x4e: {  	_ =	shalt  }
0x4f: {  	_ =	shalt  }
0x50: {  	_ =	shalt  }
0x51: {  	_ =	shalt  }
0x52: {  	_ =	shalt  }
0x53: {  	_ =	shalt  }
0x54: {  	_ =	shalt  }
0x55: {  	_ =	shalt  }
0x56: {  	_ =	shalt  }
0x57: {  	_ =	shalt  }
0x58: {  	_ =	shalt  }
0x59: {  	_ =	shalt  }
0x5a: {  	_ =	shalt  }
0x5b: {  	_ =	shalt  }
0x5c: {  	_ =	shalt  }
0x5d: {  	_ =	shalt  }
0x5e: {  	_ =	shalt  }
0x5f: {  	_ =	shalt  }
0x60: {  	_ =	shalt  }
0x61: {  	_ =	shalt  }
0x62: {  	_ =	shalt  }
0x63: {  	_ =	shalt  }
0x64: {  	_ =	shalt  }
0x65: {  	_ =	shalt  }
0x66: {  	_ =	shalt  }
0x67: {  	_ =	shalt  }
0x68: {  	_ =	shalt  }
0x69: {  	_ =	shalt  }
0x6a: {  	_ =	shalt  }
0x6b: {  	_ =	shalt  }
0x6c: {  	_ =	shalt  }
0x6d: {  	_ =	shalt  }
0x6e: {  	_ =	shalt  }
0x6f: {  	_ =	shalt  }
0x70: {  	_ =	shalt  }
0x71: {  	_ =	shalt  }
0x72: {  	_ =	shalt  }
0x73: {  	_ =	shalt  }
0x74: {  	_ =	shalt  }
0x75: {  	_ =	shalt  }
0x76: {  	_ =	shalt  }
0x77: {  	_ =	shalt  }
0x78: {  	_ =	shalt  }
0x79: {  	_ =	shalt  }
0x7a: {  	_ =	shalt  }
0x7b: {  	_ =	shalt  }
0x7c: {  	_ =	shalt  }
0x7d: {  	_ =	shalt  }
0x7e: {  	_ =	shalt  }
0x7f: {  	_ =	shalt  }
0x80: {  	_ =	shalt  }
0x81: {  	_ =	shalt  }
0x82: {  	_ =	shalt  }
0x83: {  	_ =	shalt  }
0x84: {  	_ =	shalt  }
0x85: {  	_ =	shalt  }
0x86: {  	_ =	shalt  }
0x87: {  	_ =	shalt  }
.Lfunc_end0:
.L_simem_size_0:
called_computation_lowered:
.L_overlay_start_0:
0x88: {  	s2 =	sld [smem:$0x3FD9]  }
0x89: {  	s3 =	sld [smem:$0x3FFE];
	_ =	sdelay $0x1  }
0x8a: {  	s1 =	srdreg.scid  }
0x8b: {  	s0 =	sand.u32 $0x1, s1  }
0x8c: {  	s17 =	sshll.u32 s0, $0xA;
	s2 =	sadd.s32 s3, s2  }
0x8d: {  	s2 =	sadd.s32 s2, s17  }
0x8e: {  	[smem:$0x3FBE] =	sst s2  }
0x8f: {  	_ = 	snop  }
0x90: {  	s2 =	sld [smem:$0x3FC9]  }
0x91: {  	s18 =	sld [smem:$0x3FC8]  }
0x92: {  	s4 =	sld [smem:$0x3FC7]  }
0x93: {  	s5 =	sld [smem:$0x3FC6];
	(tm) =	ssettm $0x1  }
0x94: {  	s6 =	sld [smem:$0x3FFB];
	_ =	sdelay $0x3  }
0x95: {  	_ =	strace s6  }
0x96: {  	s6 =	sld [smem:$0x3FFC];
	_ =	sdelay $0x3  }
0x97: {  	_ =	strace s6  }
0x98: {  	s6 =	sld [smem:$0x3FFD];
	_ =	sdelay $0x3  }
0x99: {  	_ =	strace s6  }
0x9a: {  	_ =	strace $0x8FFFFFFF  }
0x9b: {  	s19 =	sld [smem:$0x3FDB];
	_ =	sdelay $0x1  }
0x9c: {  	s7 =	simm.s32 $_scs_section_size  }
0x9d: {  	s8 =	simm.s32 $_size__tile_overlayer_lowered;
	s9 =	simm.s32 $_tile_overlayer_lowered  }
0x9e: {  	s22 =	simm.s32 $0x1BFF;
	s21 =	sshll.u32 s9, $0x1;
	s6 =	sadd.s32 s7, s19  }
0x9f: {  	s10 =	simm.s32 $0x0;
	s20 =	sshll.u32 s8, $0x1;
	s8 =	sadd.s32 s21, s6  }
0xa0: {  	[timem:s10], [sflag:s22] =	dma.local [hbm:s8], s20  }
0xa1: {  	_ =	swait.ge [sflag:s22], s20  }
0xa2: {  	s7 =	ssub.s32 $0x0, s20;
	[sflag:s22] =	ssyncset.done $0x0  }
0xa3: {  	[sflag:s22] =	ssyncadd.s32 s7;
	_ =	sdelay $0x1  }
0xa4: {  	s23 =	simm.s32 $0x1B8B  }
0xa5: {  	_ =	swait.ge [sflag:s23], $0x1  }
0xa6: {  	[sflag:s23] =	ssyncset.done $0x0  }
0xa7: {  	s25 =	simm.s32 $0x1B8E;
	s24 =	sld [smem:$0x3FFE];
	[sflag:s23] =	ssyncadd.s32 $0xFFFFFFFF  }
0xa8: {  	s26 =	simm.s32 $execute0_lowered;
	[smem:$0x3FD2] =	sst s25  }
0xa9: {  	s8 =	sshll.u32 s26, $0x1;
	_ =	strace $0x80000046;
	[dreg:$0x1] =	wrdreg $0xFFFFFFFF  }
0xaa: {  	s28 =	simm.s32 $_size_execute0_lowered;
	s6 =	sadd.s32 s6, s8;
	[dreg:$0x0] =	wrdreg $0x0  }
0xab: {  	s8 =	sshll.u32 s28, $0x1;
	[dreg:$0x2] =	wrdreg s6  }
0xac: {  	[dreg:$0x3] =	wrdreg s8  }
0xad: {  	[dreg:$0x4] =	wrdreg $0xC0  }
0xae: {  	_ =	task [dreg:s10], $0x5FFFF  }
0xaf: {  	[dreg:$0x1] =	wrdreg $0xFFFFFFFF  }
0xb0: {  	[dreg:$0x0] =	wrdreg $0x60  }
0xb1: {  	[dreg:$0x2] =	wrdreg s2  }
0xb2: {  	[dreg:$0x3] =	wrdreg s18  }
0xb3: {  	[dreg:$0x4] =	wrdreg s4  }
0xb4: {  	[dreg:$0x5] =	wrdreg s5  }
0xb5: {  	[dreg:$0x6] =	wrdreg s24  }
0xb6: {  	[dreg:$0x7] =	wrdreg $0x9  }
0xb7: {  	_ =	task.clear_ibuf [dreg:s10], $0x8FFFF;
	_ =	strace $0x90000046  }
0xb8: {  	s29 =	simm.s32 $0x9;
	_ =	strace $0x80000048  }
0xb9: {  	_ =	swait.ge [sflag:s29], $0x1  }
0xba: {  	[sflag:s29] =	ssyncadd.s32 $0xFFFFFFFF  }
0xbb: {  	_ =	strace $0x90000048  }
0xbc: {  	_ =	sfence  }
0xbd: {  	s30 =	sld [smem:$0x0];
	_ =	sdelay $0x2  }
0xbe: {  	s31 =	sshll.u32 s1, $0xD;
	s1 =	sshrl.u32 s1, $0x2  }
0xbf: {  	s3 =	sand.u32 $0x4000, s31;
	s1 =	sadd.s32 s1, s30  }
0xc0: {  	s0 =	sor.u32 s3, s0;
	s1 =	sshll.u32 s1, $0x11  }
0xc1: {  	s0 =	sor.u32 s1, s0  }
0xc2: {  	s0 =	sadd.s32 $0x8F2B, s0  }
0xc3: {  	[sflag:s0] =	ssyncadd.remote.s32 $0x1  }
0xc4: {  	_ =	sfence.sel $0xFFFF  }
0xc5: {  	[dreg:$0x0] =	wrdreg $0xFFFFFFFF;
	(pc) =	sbr.abs _section_cstart, $3  }
0xc6: {  	[dreg:$0x1] =	wrdreg $0xFFFFFFFF  }
0xc7: {  	_ =	task.clear_ibuf [dreg:s10], $0x2FFFF;
	_ =	strace $0x9FFFFFFF  }
0xc8: {  	(tm) =	ssettm $0x7FFFFFFF  }
0xc9: {  	_ =	shalt  }
tec
execute0_lowered:
.L_overlay_start_1:
0x0: {  	(tag) =	ssettag $0x1  }
0x1: {  	s5 =	rddreg [dreg:$0x0]  }
0x2: {  	s10 =	rddreg [dreg:$0x1]  }
0x3: {  	s1 =	rddreg [dreg:$0x2];
	s2 =	srdreg.scid  }
0x4: {  	s3 =	rddreg [dreg:$0x3];
	s0 =	stileid.u32;
	s11 =	sand.u32 $0x1, s2  }
0x5: {  	s9 =	rddreg [dreg:$0x4];
	s6 =	sshll.u32 s0, $0xA;
	s7 =	sshll.u32 s11, $0x9  }
0x6: {  	s4 =	simm.s32 $0x0;
	s2 =	rddreg [dreg:$0x5];
	s12 =	sor.u32 s7, s6  }
0x7: {  	[smem:$0x7FF] =	sst s4;
	s13 =	sshrl.u32 s12, $0x3  }
0x8: {  	_ =	strace $0x80000047;
	s6 =	sadd.s32 s5, s13;
	s5 =	simm.s32 $0x2  }
0x9: {  	[tilespmem:s4], [sflag:$0x2] =	stream.linear.gather [hbm4b:s6+s4], $0x200, $0x38;
	[tilespmem:$0x10200] =	vst v63  }
0xa: {  	_ =	swait.ge [sflag:s5], $0x200  }
0xb: {  	[sflag:s5] =	ssyncset.done $0x0  }
0xc: {  	s8 =	simm.s32 $0x1;
	s7 =	simm.s32 $0x200;
	[sflag:s5] =	ssyncadd.s32 $0xFFFFFE00  }
0xd: {  	[tilespmem:s7], [sflag:$0x1] =	stream.indirect.gather [hbm4b:s1+s7], $0x80, s4, s7, $0xb8;
	[tilespmem:$0x10200] =	vst v63  }
0xe: {  	s12 =	sshll.u32 s12, $0x4;
	_ =	swait.ge [sflag:s8], $0x10000  }
0xf: {  	s12 =	sadd.s32 s12, s9;
	[sflag:s8] =	ssyncset.done $0x0  }
0x10: {  	s9 =	sadd.s32 $0x1800, s12;
	[sflag:s8] =	ssyncadd.s32 $0xFFFF0000  }
0x11: {  	[hbm4b:s9+s4] =	stream.linear.scatter [tilespmem:s7], [sflag:$0x2], $0x10000, $0x38;
	[tilespmem:$0x10200] =	vst v63  }
0x12: {  	_ =	swait.ge [sflag:s5], $0x10000  }
0x13: {  	[sflag:s5] =	ssyncset.done $0x0  }
0x14: {  	s11 =	ssub.s32 $0x2, s11;
	s10 =	sadd.s32 s10, s13;
	[sflag:s5] =	ssyncadd.s32 $0xFFFF0000  }
0x15: {  	[tilespmem:s4], [sflag:$0x2] =	stream.linear.gather [hbm4b:s10+s4], $0x200, $0x38;
	[tilespmem:$0x10200] =	vst v63  }
0x16: {  	s30 =	sshrl.u32 s11, $0x1;
	_ =	swait.ge [sflag:s5], $0x200  }
0x17: {  	s13 =	ssub.s32 s11, s30;
	[sflag:s5] =	ssyncset.done $0x0  }
0x18: {  	s31 =	smax.u32 s13, $0x1;
	[sflag:s5] =	ssyncadd.s32 $0xFFFFFE00  }
0x19: {  	[tilespmem:s7], [sflag:$0x1] =	stream.indirect.gather [hbm4b:s3+s7], $0x80, s4, s7, $0xb8;
	[tilespmem:$0x10200] =	vst v63  }
0x1a: {  	p0 =	sne.s32 s31, $0x1;
	_ =	swait.ge [sflag:s8], $0x10000  }
.Ltmp0:
0x1b: {  	[sflag:s8] =	ssyncset.done $0x0;
	(pc) =	sbr.rel @!p0 .LBB2_2-.Ltmp0, $4  }
0x1c: {  	s11 =	sadd.s32 $0x41800, s12;
	[sflag:s8] =	ssyncadd.s32 $0xFFFF0000  }
0x1d: {  	[hbm4b:s11+s4] =	stream.linear.scatter [tilespmem:s7], [sflag:$0x2], $0x10000, $0x38;
	[tilespmem:$0x10200] =	vst v63  }
0x1e: {  	_ =	swait.ge [sflag:s5], $0x10000  }
0x1f: {  	s12 =	sadd.s32 $0xFFFFFFFF, s31;
	[sflag:s5] =	ssyncset.done $0x0  }
.LBB2_1:
0x20: {  	p0 =	sne.s32 s12, $0x1;
	s12 =	sadd.s32 $0xFFFFFFFF, s12;
	[sflag:s5] =	ssyncadd.s32 $0xFFFF0000  }
0x21: {  	[tilespmem:s4], [sflag:$0x2] =	stream.linear.gather [hbm4b:s6+s4], $0x200, $0x38;
	[tilespmem:$0x10200] =	vst v63  }
0x22: {  	_ =	swait.ge [sflag:s5], $0x200  }
0x23: {  	[sflag:s5] =	ssyncset.done $0x0  }
0x24: {  	[sflag:s5] =	ssyncadd.s32 $0xFFFFFE00  }
0x25: {  	[tilespmem:s7], [sflag:$0x1] =	stream.indirect.gather [hbm4b:s1+s7], $0x80, s4, s7, $0xb8;
	[tilespmem:$0x10200] =	vst v63  }
0x26: {  	_ =	swait.ge [sflag:s8], $0x10000  }
0x27: {  	[sflag:s8] =	ssyncset.done $0x0  }
0x28: {  	[sflag:s8] =	ssyncadd.s32 $0xFFFF0000  }
0x29: {  	[hbm4b:s9+s4] =	stream.linear.scatter [tilespmem:s7], [sflag:$0x2], $0x10000, $0x38;
	[tilespmem:$0x10200] =	vst v63  }
0x2a: {  	_ =	swait.ge [sflag:s5], $0x10000  }
0x2b: {  	[sflag:s5] =	ssyncset.done $0x0  }
0x2c: {  	[sflag:s5] =	ssyncadd.s32 $0xFFFF0000  }
0x2d: {  	[tilespmem:s4], [sflag:$0x2] =	stream.linear.gather [hbm4b:s10+s4], $0x200, $0x38;
	[tilespmem:$0x10200] =	vst v63  }
0x2e: {  	_ =	swait.ge [sflag:s5], $0x200  }
0x2f: {  	[sflag:s5] =	ssyncset.done $0x0  }
0x30: {  	[sflag:s5] =	ssyncadd.s32 $0xFFFFFE00  }
0x31: {  	[tilespmem:s7], [sflag:$0x1] =	stream.indirect.gather [hbm4b:s3+s7], $0x80, s4, s7, $0xb8;
	[tilespmem:$0x10200] =	vst v63  }
0x32: {  	_ =	swait.ge [sflag:s8], $0x10000  }
.Ltmp1:
0x33: {  	[sflag:s8] =	ssyncset.done $0x0;
	(pc) =	sbr.rel @p0 .LBB2_1-.Ltmp1, $4  }
0x34: {  	[sflag:s8] =	ssyncadd.s32 $0xFFFF0000  }
0x35: {  	[hbm4b:s11+s4] =	stream.linear.scatter [tilespmem:s7], [sflag:$0x2], $0x10000, $0x38;
	[tilespmem:$0x10200] =	vst v63  }
0x36: {  	_ =	swait.ge [sflag:s5], $0x10000  }
0x37: {  	[sflag:s5] =	ssyncset.done $0x0  }
.LBB2_2:
0x38: {  	[sflag:s5] =	ssyncadd.s32 $0xFFFF0000  }
0x39: {  	_ =	sfence.sel $0x180000  }
0x3a: {  	[bflag:$0x0] =	sbarrier.arrive $0xFFFF  }
0x3b: {  	p0 =	sne.s32 s0, $0x0;
	_ =	strace $0x90000047  }
0x3c: {  	s0 =	sadd.s32 @!p0 $0x100000, s2;
	[bflag:$0x2] =	sbarrier.arrive $0xFFFF  }
0x3d: {  	[sflag:s0] =	ssyncadd.tile.s32 @!p0 $0x1;
	_ =	shalt  }
.Lfunc_end2:
_tile_overlayer_lowered:
.L_overlay_start_2:
0x3e: {  	(tag) =	ssettag $0x2  }
0x3f: {  	s0 =	rddreg [dreg:$0x0];
	s2 =	stileid.u32  }
0x40: {  	s1 =	rddreg [dreg:$0x1];
	p0 =	sne.s32 s2, $0x0  }
0x41: {  	s3 =	rddreg [dreg:$0x2];
	[bflag:$0x3] =	sbarrier.arrive $0xFFFF;
	s2 =	simm.s32 @!p0 $0x1C02  }
0x42: {  	[timem:s3], [sflag:s2] =	dma.local @!p0 [hbm:s0], s1  }
0x43: {  	s0 =	simm.s32 @!p0 $0x2  }
0x44: {  	_ =	swait.ge @!p0 [sflag:s0], s1  }
0x45: {  	s1 =	ssub.s32 @!p0 $0x0, s1;
	[sflag:s0] =	ssyncset.done @!p0 $0x0  }
0x46: {  	[sflag:s0] =	ssyncadd.s32 @!p0 s1  }
0x47: {  	[bflag:$0x3] =	sbarrier.arrive $0xFFFF  }
0x48: {  	_ =	shalt  }

</sc_bundles>
